<compile_context>
chip_gen: v7x
topology: tpu7x:2x2x1
jax: 0.10.2.dev20260603
libtpu: 0.0.44.dev20260713+nightly
codegen_flags: <defaults>
</compile_context>

<pallas_src>
import jax
import jax.numpy as jnp
from jax import lax
from jax.experimental import pallas as pl
from jax.experimental.pallas import tpu as pltpu
from jax.experimental.pallas import tpu_sc as plsc

BATCH = 16384
EMBED_K = 64

_NUM_CORES = 2
_NUM_SUBCORES = 16
_NUM_WORKERS = _NUM_CORES * _NUM_SUBCORES
_BPW = BATCH // _NUM_WORKERS


def _sc_gather_body(ui_hbm, vi_hbm, w_hbm, h_hbm, outu_hbm, outv_hbm,
                    idx_u, idx_v, rows_u, rows_v, sem_u, sem_v):
    wid = lax.axis_index("s") * _NUM_CORES + lax.axis_index("c")
    base = wid * _BPW
    pltpu.sync_copy(ui_hbm.at[pl.ds(base, _BPW)], idx_u)
    pltpu.sync_copy(vi_hbm.at[pl.ds(base, _BPW)], idx_v)
    cu = pltpu.async_copy(w_hbm.at[idx_u], rows_u, sem_u)
    cv = pltpu.async_copy(h_hbm.at[idx_v], rows_v, sem_v)
    cu.wait()
    pltpu.sync_copy(rows_u, outu_hbm.at[pl.ds(base, _BPW)])
    cv.wait()
    pltpu.sync_copy(rows_v, outv_hbm.at[pl.ds(base, _BPW)])


def _sc_gather(ui, vi, W, H):
    mesh = plsc.VectorSubcoreMesh(core_axis_name="c", subcore_axis_name="s")
    run = pl.kernel(
        _sc_gather_body,
        mesh=mesh,
        out_type=[
            jax.ShapeDtypeStruct((BATCH, EMBED_K), jnp.float32),
            jax.ShapeDtypeStruct((BATCH, EMBED_K), jnp.float32),
        ],
        scratch_types=[
            pltpu.VMEM((_BPW,), jnp.int32),
            pltpu.VMEM((_BPW,), jnp.int32),
            pltpu.VMEM((_BPW, EMBED_K), jnp.float32),
            pltpu.VMEM((_BPW, EMBED_K), jnp.float32),
            pltpu.SemaphoreType.DMA,
            pltpu.SemaphoreType.DMA,
        ],
        compiler_params=pltpu.CompilerParams(use_tc_tiling_on_sc=False),
    )
    return run(ui, vi, W, H)


_BLK = 2048


def _mlp_body(u_ref, v_ref, w1a_ref, w1b_ref, b1_ref, w2_ref, b2_ref,
              w3_ref, b3_ref, out_ref):
    z1 = (
        jnp.dot(u_ref[...], w1a_ref[...], preferred_element_type=jnp.float32)
        + jnp.dot(v_ref[...], w1b_ref[...], preferred_element_type=jnp.float32)
        + b1_ref[...]
    )
    h1 = jnp.maximum(z1, 0.0)
    z2 = jnp.dot(h1, w2_ref[...], preferred_element_type=jnp.float32) + b2_ref[...]
    h2 = jnp.maximum(z2, 0.0)
    out_ref[...] = jnp.sum(h2 * w3_ref[...], axis=1) + b3_ref[0, 0]


def _tc_mlp(U, V, W1, b1, W2, b2, W3, b3):
    w1a = W1[:EMBED_K]
    w1b = W1[EMBED_K:]
    b1r = b1.reshape(1, EMBED_K)
    b2r = b2.reshape(1, EMBED_K)
    w3r = W3.reshape(1, EMBED_K)
    b3r = b3.reshape(1, 1)
    grid = BATCH // _BLK
    full = pl.BlockSpec((EMBED_K, EMBED_K), lambda i: (0, 0))
    row = pl.BlockSpec((1, EMBED_K), lambda i: (0, 0))
    return pl.pallas_call(
        _mlp_body,
        grid=(grid,),
        in_specs=[
            pl.BlockSpec((_BLK, EMBED_K), lambda i: (i, 0)),
            pl.BlockSpec((_BLK, EMBED_K), lambda i: (i, 0)),
            full, full, row, full, row, row,
            pl.BlockSpec((1, 1), lambda i: (0, 0)),
        ],
        out_specs=pl.BlockSpec((_BLK,), lambda i: (i,)),
        out_shape=jax.ShapeDtypeStruct((BATCH,), jnp.float32),
    )(U, V, w1a, w1b, b1r, W2, b2r, w3r, b3r)


def kernel(x, W, H, W1, b1, W2, b2, W3, b3):
    ui = x[:, 0].astype(jnp.int32)
    vi = x[:, 1].astype(jnp.int32)
    U, V = _sc_gather(ui, vi, W, H)
    return _tc_mlp(U, V, W1, b1, W2, b2, W3, b3)

# --- scband reference (transcript-rebuilt; emitter-appended) ---
"""Pipeline reference for scband-mf-bv-multi-bin-jl-g-8589935327 (READ-ONLY COPY).

The authoritative reference and input builder live on the scoring server;
editing this copy changes nothing except your own understanding.
"""

import jax, jax.numpy as jnp
import numpy as np

NUM_USERS = 100000
NUM_ITEMS = 100000
EMBED_K = 64
BATCH = 16384


def setup_inputs(seed: int = 0) -> dict:
    key = jax.random.key(seed)
    ks = jax.random.split(key, 10)
    x = jax.random.randint(ks[0], (BATCH, 2), 0, NUM_USERS, dtype=jnp.int64 if jax.config.jax_enable_x64 else jnp.int32)
    # Embedding tables
    W = jax.random.normal(ks[1], (NUM_USERS, EMBED_K), dtype=jnp.float32)
    H = jax.random.normal(ks[2], (NUM_ITEMS, EMBED_K), dtype=jnp.float32)
    # MLP params (Linear: y = x @ W.T + b, store as [in, out] for jnp)
    lim1 = 1.0 / np.sqrt(2 * EMBED_K)
    W1 = jax.random.uniform(ks[3], (2 * EMBED_K, EMBED_K), minval=-lim1, maxval=lim1, dtype=jnp.float32)
    b1 = jax.random.uniform(ks[4], (EMBED_K,), minval=-lim1, maxval=lim1, dtype=jnp.float32)
    lim2 = 1.0 / np.sqrt(EMBED_K)
    W2 = jax.random.uniform(ks[5], (EMBED_K, EMBED_K), minval=-lim2, maxval=lim2, dtype=jnp.float32)
    b2 = jax.random.uniform(ks[6], (EMBED_K,), minval=-lim2, maxval=lim2, dtype=jnp.float32)
    W3 = jax.random.uniform(ks[7], (EMBED_K, 1), minval=-lim2, maxval=lim2, dtype=jnp.float32)
    b3 = jax.random.uniform(ks[8], (1,), minval=-lim2, maxval=lim2, dtype=jnp.float32)
    return {"x": x, "W": W, "H": H, "W1": W1, "b1": b1, "W2": W2, "b2": b2, "W3": W3, "b3": b3}


def reference(x, W, H, W1, b1, W2, b2, W3, b3):
    # NCF_BaseModel_3.forward (the prediction_model of MF_BV_Multi_bin_JL_G)
    user_idx = x[:, 0]
    item_idx = x[:, 1]
    U_emb = jnp.take(W, user_idx, axis=0)   # embedding gather
    V_emb = jnp.take(H, item_idx, axis=0)   # embedding gather
    z_emb = jnp.concatenate([U_emb, V_emb], axis=1)
    h = jnp.maximum(z_emb @ W1 + b1, 0.0)
    h = jnp.maximum(h @ W2 + b2, 0.0)
    out = h @ W3 + b3
    return jnp.squeeze(out)

if __name__ == "__main__":
    import jax
    _d = setup_inputs()
    print(jax.jit(kernel)(*tuple(_d.values())))

</pallas_src>

<mosaic_0001>
#map = affine_map<(d0, d1) -> (0)>
#map1 = affine_map<(d0, d1) -> (0, 0)>
module attributes {stable_mosaic.version = 14 : i64} {
  func.func @_sc_gather_body(%arg0: i32, %arg1: i32, %arg2: memref<16384xi32, #tpu.memory_space<hbm>>, %arg3: memref<16384xi32, #tpu.memory_space<hbm>>, %arg4: memref<100000x64xf32, #tpu.memory_space<hbm>>, %arg5: memref<100000x64xf32, #tpu.memory_space<hbm>>, %arg6: memref<16384x64xf32, #tpu.memory_space<hbm>>, %arg7: memref<16384x64xf32, #tpu.memory_space<hbm>>, %arg8: memref<512xi32, #tpu.memory_space<vmem>>, %arg9: memref<512xi32, #tpu.memory_space<vmem>>, %arg10: memref<512x64xf32, #tpu.memory_space<vmem>>, %arg11: memref<512x64xf32, #tpu.memory_space<vmem>>, %arg12: memref<!tpu.dma_semaphore, #tpu.memory_space<semaphore_mem>>, %arg13: memref<!tpu.dma_semaphore, #tpu.memory_space<semaphore_mem>>) attributes {dimension_semantics = [#tpu.dimension_semantics<core_parallel>, #tpu.dimension_semantics<subcore_parallel>], iteration_bounds = array<i64: 2, 16>, scalar_prefetch = 0 : i64, scratch_operands = 6 : i64, tpu.core_type = #tpu.core_type<sc_vector_subcore>, window_params = [{transform_indices = #map}, {transform_indices = #map}, {transform_indices = #map1}, {transform_indices = #map1}, {transform_indices = #map1}, {transform_indices = #map1}]} {
    %mul3A = arith.constant 2 : i32
    %mul3A_0 = arith.muli %arg1, %mul3A : i32
    %add3A = arith.addi %mul3A_0, %arg0 : i32
    %mul3A_1 = arith.constant 512 : i32
    %mul3A_2 = arith.muli %add3A, %mul3A_1 : i32
    "tpu.region"() ({
      %run_scoped3A = tpu.sem_alloc : memref<!tpu.dma_semaphore, #tpu.memory_space<semaphore_mem>>
      %dma_start3A_13 = tpu.memref_slice %arg2[%mul3A_2] : memref<16384xi32, #tpu.memory_space<hbm>> -> memref<512xi32, #tpu.memory_space<hbm>>
      %dma_start3A_14 = tpu.memref_slice %arg2[%mul3A_2] : memref<16384xi32, #tpu.memory_space<hbm>> -> memref<512xi32, #tpu.memory_space<hbm>>
      tpu.enqueue_dma source(%dma_start3A_14 : memref<512xi32, #tpu.memory_space<hbm>>) target(%arg8 : memref<512xi32, #tpu.memory_space<vmem>>) target_semaphore(%run_scoped3A : memref<!tpu.dma_semaphore, #tpu.memory_space<semaphore_mem>>)
      %dma_wait3A_15 = tpu.memref_slice %arg2[%mul3A_2] : memref<16384xi32, #tpu.memory_space<hbm>> -> memref<512xi32, #tpu.memory_space<hbm>>
      %dma_wait3A_16 = tpu.memref_slice %arg2[%mul3A_2] : memref<16384xi32, #tpu.memory_space<hbm>> -> memref<512xi32, #tpu.memory_space<hbm>>
      tpu.wait_dma2 semaphore(%run_scoped3A : memref<!tpu.dma_semaphore, #tpu.memory_space<semaphore_mem>>) src(%dma_wait3A_16 : memref<512xi32, #tpu.memory_space<hbm>>) dst(%arg8 : memref<512xi32, #tpu.memory_space<vmem>>)
      tpu.yield
    }) : () -> ()
    "tpu.region"() ({
      %run_scoped3A = tpu.sem_alloc : memref<!tpu.dma_semaphore, #tpu.memory_space<semaphore_mem>>
      %dma_start3A_13 = tpu.memref_slice %arg3[%mul3A_2] : memref<16384xi32, #tpu.memory_space<hbm>> -> memref<512xi32, #tpu.memory_space<hbm>>
      %dma_start3A_14 = tpu.memref_slice %arg3[%mul3A_2] : memref<16384xi32, #tpu.memory_space<hbm>> -> memref<512xi32, #tpu.memory_space<hbm>>
      tpu.enqueue_dma source(%dma_start3A_14 : memref<512xi32, #tpu.memory_space<hbm>>) target(%arg9 : memref<512xi32, #tpu.memory_space<vmem>>) target_semaphore(%run_scoped3A : memref<!tpu.dma_semaphore, #tpu.memory_space<semaphore_mem>>)
      %dma_wait3A_15 = tpu.memref_slice %arg3[%mul3A_2] : memref<16384xi32, #tpu.memory_space<hbm>> -> memref<512xi32, #tpu.memory_space<hbm>>
      %dma_wait3A_16 = tpu.memref_slice %arg3[%mul3A_2] : memref<16384xi32, #tpu.memory_space<hbm>> -> memref<512xi32, #tpu.memory_space<hbm>>
      tpu.wait_dma2 semaphore(%run_scoped3A : memref<!tpu.dma_semaphore, #tpu.memory_space<semaphore_mem>>) src(%dma_wait3A_16 : memref<512xi32, #tpu.memory_space<hbm>>) dst(%arg9 : memref<512xi32, #tpu.memory_space<vmem>>)
      tpu.yield
    }) : () -> ()
    %dma_start3A = arith.constant 0 : i32
    %dma_start3A_3 = arith.constant 0 : i32
    %dma_start3A_4 = tpu.memref_slice %arg4[%dma_start3A, %dma_start3A_3] : memref<100000x64xf32, #tpu.memory_space<hbm>> -> memref<100000x64xf32, #tpu.memory_space<hbm>>
    tpu.enqueue_indirect_dma source(%dma_start3A_4 : memref<100000x64xf32, #tpu.memory_space<hbm>>) target(%arg10 : memref<512x64xf32, #tpu.memory_space<vmem>>) offsets(%arg8 : memref<512xi32, #tpu.memory_space<vmem>>) semaphore(%arg12 : memref<!tpu.dma_semaphore, #tpu.memory_space<semaphore_mem>>)
    %dma_start3A_5 = arith.constant 0 : i32
    %dma_start3A_6 = arith.constant 0 : i32
    %dma_start3A_7 = tpu.memref_slice %arg5[%dma_start3A_5, %dma_start3A_6] : memref<100000x64xf32, #tpu.memory_space<hbm>> -> memref<100000x64xf32, #tpu.memory_space<hbm>>
    tpu.enqueue_indirect_dma source(%dma_start3A_7 : memref<100000x64xf32, #tpu.memory_space<hbm>>) target(%arg11 : memref<512x64xf32, #tpu.memory_space<vmem>>) offsets(%arg9 : memref<512xi32, #tpu.memory_space<vmem>>) semaphore(%arg13 : memref<!tpu.dma_semaphore, #tpu.memory_space<semaphore_mem>>)
    %dma_wait3A = arith.constant 0 : i32
    %dma_wait3A_8 = arith.constant 0 : i32
    %dma_wait3A_9 = tpu.memref_slice %arg4[%dma_wait3A, %dma_wait3A_8] : memref<100000x64xf32, #tpu.memory_space<hbm>> -> memref<100000x64xf32, #tpu.memory_space<hbm>>
    tpu.wait_indirect_dma semaphore(%arg12 : memref<!tpu.dma_semaphore, #tpu.memory_space<semaphore_mem>>) src(%dma_wait3A_9 : memref<100000x64xf32, #tpu.memory_space<hbm>>) dst(%arg10 : memref<512x64xf32, #tpu.memory_space<vmem>>)
    "tpu.region"() ({
      %run_scoped3A = tpu.sem_alloc : memref<!tpu.dma_semaphore, #tpu.memory_space<semaphore_mem>>
      %dma_start3A_13 = arith.constant 0 : i32
      %dma_start3A_14 = tpu.memref_slice %arg6[%mul3A_2, %dma_start3A_13] : memref<16384x64xf32, #tpu.memory_space<hbm>> -> memref<512x64xf32, #tpu.memory_space<hbm>>
      %dma_start3A_15 = arith.constant 0 : i32
      %dma_start3A_16 = tpu.memref_slice %arg6[%mul3A_2, %dma_start3A_15] : memref<16384x64xf32, #tpu.memory_space<hbm>> -> memref<512x64xf32, #tpu.memory_space<hbm>>
      tpu.enqueue_dma source(%arg10 : memref<512x64xf32, #tpu.memory_space<vmem>>) target(%dma_start3A_16 : memref<512x64xf32, #tpu.memory_space<hbm>>) target_semaphore(%run_scoped3A : memref<!tpu.dma_semaphore, #tpu.memory_space<semaphore_mem>>)
      %dma_wait3A_17 = arith.constant 0 : i32
      %dma_wait3A_18 = tpu.memref_slice %arg6[%mul3A_2, %dma_wait3A_17] : memref<16384x64xf32, #tpu.memory_space<hbm>> -> memref<512x64xf32, #tpu.memory_space<hbm>>
      %dma_wait3A_19 = arith.constant 0 : i32
      %dma_wait3A_20 = tpu.memref_slice %arg6[%mul3A_2, %dma_wait3A_19] : memref<16384x64xf32, #tpu.memory_space<hbm>> -> memref<512x64xf32, #tpu.memory_space<hbm>>
      tpu.wait_dma2 semaphore(%run_scoped3A : memref<!tpu.dma_semaphore, #tpu.memory_space<semaphore_mem>>) src(%arg10 : memref<512x64xf32, #tpu.memory_space<vmem>>) dst(%dma_wait3A_20 : memref<512x64xf32, #tpu.memory_space<hbm>>)
      tpu.yield
    }) : () -> ()
    %dma_wait3A_10 = arith.constant 0 : i32
    %dma_wait3A_11 = arith.constant 0 : i32
    %dma_wait3A_12 = tpu.memref_slice %arg5[%dma_wait3A_10, %dma_wait3A_11] : memref<100000x64xf32, #tpu.memory_space<hbm>> -> memref<100000x64xf32, #tpu.memory_space<hbm>>
    tpu.wait_indirect_dma semaphore(%arg13 : memref<!tpu.dma_semaphore, #tpu.memory_space<semaphore_mem>>) src(%dma_wait3A_12 : memref<100000x64xf32, #tpu.memory_space<hbm>>) dst(%arg11 : memref<512x64xf32, #tpu.memory_space<vmem>>)
    "tpu.region"() ({
      %run_scoped3A = tpu.sem_alloc : memref<!tpu.dma_semaphore, #tpu.memory_space<semaphore_mem>>
      %dma_start3A_13 = arith.constant 0 : i32
      %dma_start3A_14 = tpu.memref_slice %arg7[%mul3A_2, %dma_start3A_13] : memref<16384x64xf32, #tpu.memory_space<hbm>> -> memref<512x64xf32, #tpu.memory_space<hbm>>
      %dma_start3A_15 = arith.constant 0 : i32
      %dma_start3A_16 = tpu.memref_slice %arg7[%mul3A_2, %dma_start3A_15] : memref<16384x64xf32, #tpu.memory_space<hbm>> -> memref<512x64xf32, #tpu.memory_space<hbm>>
      tpu.enqueue_dma source(%arg11 : memref<512x64xf32, #tpu.memory_space<vmem>>) target(%dma_start3A_16 : memref<512x64xf32, #tpu.memory_space<hbm>>) target_semaphore(%run_scoped3A : memref<!tpu.dma_semaphore, #tpu.memory_space<semaphore_mem>>)
      %dma_wait3A_17 = arith.constant 0 : i32
      %dma_wait3A_18 = tpu.memref_slice %arg7[%mul3A_2, %dma_wait3A_17] : memref<16384x64xf32, #tpu.memory_space<hbm>> -> memref<512x64xf32, #tpu.memory_space<hbm>>
      %dma_wait3A_19 = arith.constant 0 : i32
      %dma_wait3A_20 = tpu.memref_slice %arg7[%mul3A_2, %dma_wait3A_19] : memref<16384x64xf32, #tpu.memory_space<hbm>> -> memref<512x64xf32, #tpu.memory_space<hbm>>
      tpu.wait_dma2 semaphore(%run_scoped3A : memref<!tpu.dma_semaphore, #tpu.memory_space<semaphore_mem>>) src(%arg11 : memref<512x64xf32, #tpu.memory_space<vmem>>) dst(%dma_wait3A_20 : memref<512x64xf32, #tpu.memory_space<hbm>>)
      tpu.yield
    }) : () -> ()
    return
  }
}

module attributes {stable_mosaic.version = 14 : i64} {
  func.func @_mlp_body(%arg0: i32, %arg1: memref<2048x64xf32, #tpu.memory_space<vmem>>, %arg2: memref<2048x64xf32, #tpu.memory_space<vmem>>, %arg3: memref<64x64xf32, #tpu.memory_space<vmem>>, %arg4: memref<64x64xf32, #tpu.memory_space<vmem>>, %arg5: memref<1x64xf32, #tpu.memory_space<vmem>>, %arg6: memref<64x64xf32, #tpu.memory_space<vmem>>, %arg7: memref<1x64xf32, #tpu.memory_space<vmem>>, %arg8: memref<1x64xf32, #tpu.memory_space<vmem>>, %arg9: memref<1x1xf32, #tpu.memory_space<vmem>>, %arg10: memref<2048xf32, #tpu.memory_space<vmem>>) attributes {dimension_semantics = [#tpu.dimension_semantics<arbitrary>], iteration_bounds = array<i64: 8>, scalar_prefetch = 0 : i64, scratch_operands = 0 : i64, tpu.core_type = #tpu.core_type<tc>, window_params = [{transform_indices = @transform_0, window_bounds = array<i64: 2048, 64>}, {transform_indices = @transform_1, window_bounds = array<i64: 2048, 64>}, {pipeline_mode = #tpu.pipeline_mode<synchronous>, transform_indices = @transform_2, window_bounds = array<i64: 64, 64>}, {pipeline_mode = #tpu.pipeline_mode<synchronous>, transform_indices = @transform_3, window_bounds = array<i64: 64, 64>}, {pipeline_mode = #tpu.pipeline_mode<synchronous>, transform_indices = @transform_4, window_bounds = array<i64: 1, 64>}, {pipeline_mode = #tpu.pipeline_mode<synchronous>, transform_indices = @transform_5, window_bounds = array<i64: 64, 64>}, {pipeline_mode = #tpu.pipeline_mode<synchronous>, transform_indices = @transform_6, window_bounds = array<i64: 1, 64>}, {pipeline_mode = #tpu.pipeline_mode<synchronous>, transform_indices = @transform_7, window_bounds = array<i64: 1, 64>}, {pipeline_mode = #tpu.pipeline_mode<synchronous>, transform_indices = @transform_8, window_bounds = array<i64: 1, 1>}, {transform_indices = @transform_9, window_bounds = array<i64: 2048>}]} {
    %get3A = arith.constant 0 : index
    %get3A_0 = arith.constant 0 : index
    %get3A_1 = vector.load %arg1[%get3A, %get3A_0] : memref<2048x64xf32, #tpu.memory_space<vmem>>, vector<2048x64xf32>
    %get3A_2 = arith.constant 0 : index
    %get3A_3 = arith.constant 0 : index
    %get3A_4 = vector.load %arg3[%get3A_2, %get3A_3] : memref<64x64xf32, #tpu.memory_space<vmem>>, vector<64x64xf32>
    %dot_general3A = arith.constant dense<0.000000e+00> : vector<2048x64xf32>
    %dot_general3A_5 = tpu.matmul %get3A_1, %get3A_4, %dot_general3A {dimension_numbers = #tpu.dot_dimension_numbers<[1], [0], [0], [1], [0, 0, 1, 1], [], []>, transpose_lhs_hint = false} : vector<2048x64xf32>, vector<64x64xf32>, vector<2048x64xf32> -> vector<2048x64xf32>
    %get3A_6 = arith.constant 0 : index
    %get3A_7 = arith.constant 0 : index
    %get3A_8 = vector.load %arg2[%get3A_6, %get3A_7] : memref<2048x64xf32, #tpu.memory_space<vmem>>, vector<2048x64xf32>
    %get3A_9 = arith.constant 0 : index
    %get3A_10 = arith.constant 0 : index
    %get3A_11 = vector.load %arg4[%get3A_9, %get3A_10] : memref<64x64xf32, #tpu.memory_space<vmem>>, vector<64x64xf32>
    %dot_general3A_12 = arith.constant dense<0.000000e+00> : vector<2048x64xf32>
    %dot_general3A_13 = tpu.matmul %get3A_8, %get3A_11, %dot_general3A_12 {dimension_numbers = #tpu.dot_dimension_numbers<[1], [0], [0], [1], [0, 0, 1, 1], [], []>, transpose_lhs_hint = false} : vector<2048x64xf32>, vector<64x64xf32>, vector<2048x64xf32> -> vector<2048x64xf32>
    %add3A = arith.addf %dot_general3A_5, %dot_general3A_13 : vector<2048x64xf32>
    %get3A_14 = arith.constant 0 : index
    %get3A_15 = arith.constant 0 : index
    %get3A_16 = vector.load %arg5[%get3A_14, %get3A_15] : memref<1x64xf32, #tpu.memory_space<vmem>>, vector<1x64xf32>
    %add3A_17 = vector.broadcast %get3A_16 : vector<1x64xf32> to vector<2048x64xf32>
    %add3A_18 = arith.addf %add3A, %add3A_17 : vector<2048x64xf32>
    %max3A = arith.constant 0.000000e+00 : f32
    %max3A_19 = vector.broadcast %max3A : f32 to vector<2048x64xf32>
    %max3A_20 = arith.maximumf %add3A_18, %max3A_19 : vector<2048x64xf32>
    %get3A_21 = arith.constant 0 : index
    %get3A_22 = arith.constant 0 : index
    %get3A_23 = vector.load %arg6[%get3A_21, %get3A_22] : memref<64x64xf32, #tpu.memory_space<vmem>>, vector<64x64xf32>
    %dot_general3A_24 = arith.constant dense<0.000000e+00> : vector<2048x64xf32>
    %dot_general3A_25 = tpu.matmul %max3A_20, %get3A_23, %dot_general3A_24 {dimension_numbers = #tpu.dot_dimension_numbers<[1], [0], [0], [1], [0, 0, 1, 1], [], []>, transpose_lhs_hint = false} : vector<2048x64xf32>, vector<64x64xf32>, vector<2048x64xf32> -> vector<2048x64xf32>
    %get3A_26 = arith.constant 0 : index
    %get3A_27 = arith.constant 0 : index
    %get3A_28 = vector.load %arg7[%get3A_26, %get3A_27] : memref<1x64xf32, #tpu.memory_space<vmem>>, vector<1x64xf32>
    %add3A_29 = vector.broadcast %get3A_28 : vector<1x64xf32> to vector<2048x64xf32>
    %add3A_30 = arith.addf %dot_general3A_25, %add3A_29 : vector<2048x64xf32>
    %max3A_31 = arith.constant 0.000000e+00 : f32
    %max3A_32 = vector.broadcast %max3A_31 : f32 to vector<2048x64xf32>
    %max3A_33 = arith.maximumf %add3A_30, %max3A_32 : vector<2048x64xf32>
    %get3A_34 = arith.constant 0 : index
    %get3A_35 = arith.constant 0 : index
    %get3A_36 = vector.load %arg8[%get3A_34, %get3A_35] : memref<1x64xf32, #tpu.memory_space<vmem>>, vector<1x64xf32>
    %mul3A = vector.broadcast %get3A_36 : vector<1x64xf32> to vector<2048x64xf32>
    %mul3A_37 = arith.mulf %max3A_33, %mul3A : vector<2048x64xf32>
    %reduce_sum3A = arith.constant dense<0.000000e+00> : vector<2048xf32>
    %reduce_sum3A_38 = vector.multi_reduction <add>, %mul3A_37, %reduce_sum3A [1] : vector<2048x64xf32> to vector<2048xf32>
    %get3A_39 = arith.constant 0 : index
    %get3A_40 = arith.constant 0 : index
    %get3A_41 = vector.load %arg9[%get3A_39, %get3A_40] : memref<1x1xf32, #tpu.memory_space<vmem>>, vector<1x1xf32>
    %get3A_42 = vector.extract %get3A_41[0, 0] : f32 from vector<1x1xf32>
    %add3A_43 = vector.broadcast %get3A_42 : f32 to vector<2048xf32>
    %add3A_44 = arith.addf %reduce_sum3A_38, %add3A_43 : vector<2048xf32>
    %swap3A = arith.constant 0 : index
    %swap3A_45 = vector.load %arg10[%swap3A] : memref<2048xf32, #tpu.memory_space<vmem>>, vector<2048xf32>
    tpu.vector_store %arg10[%swap3A], %add3A_44 {strides = array<i32>} : memref<2048xf32, #tpu.memory_space<vmem>>, vector<2048xf32>,
    return
  }
  func.func @transform_0(%arg0: i32) -> (i32, i32) {
    %c0_i32 = arith.constant 0 : i32
    %c0_i32_0 = arith.constant 0 : i32
    return %arg0, %c0_i32 : i32, i32
  }
  func.func @transform_1(%arg0: i32) -> (i32, i32) {
    %c0_i32 = arith.constant 0 : i32
    %c0_i32_0 = arith.constant 0 : i32
    return %arg0, %c0_i32 : i32, i32
  }
  func.func @transform_2(%arg0: i32) -> (i32, i32) {
    %c0_i32 = arith.constant 0 : i32
    %c0_i32_0 = arith.constant 0 : i32
    %c0_i32_1 = arith.constant 0 : i32
    return %c0_i32, %c0_i32_0 : i32, i32
  }
  func.func @transform_3(%arg0: i32) -> (i32, i32) {
    %c0_i32 = arith.constant 0 : i32
    %c0_i32_0 = arith.constant 0 : i32
    %c0_i32_1 = arith.constant 0 : i32
    return %c0_i32, %c0_i32_0 : i32, i32
  }
  func.func @transform_4(%arg0: i32) -> (i32, i32) {
    %c0_i32 = arith.constant 0 : i32
    %c0_i32_0 = arith.constant 0 : i32
    %c0_i32_1 = arith.constant 0 : i32
    return %c0_i32, %c0_i32_0 : i32, i32
  }
  func.func @transform_5(%arg0: i32) -> (i32, i32) {
    %c0_i32 = arith.constant 0 : i32
    %c0_i32_0 = arith.constant 0 : i32
    %c0_i32_1 = arith.constant 0 : i32
    return %c0_i32, %c0_i32_0 : i32, i32
  }
  func.func @transform_6(%arg0: i32) -> (i32, i32) {
    %c0_i32 = arith.constant 0 : i32
    %c0_i32_0 = arith.constant 0 : i32
    %c0_i32_1 = arith.constant 0 : i32
    return %c0_i32, %c0_i32_0 : i32, i32
  }
  func.func @transform_7(%arg0: i32) -> (i32, i32) {
    %c0_i32 = arith.constant 0 : i32
    %c0_i32_0 = arith.constant 0 : i32
    %c0_i32_1 = arith.constant 0 : i32
    return %c0_i32, %c0_i32_0 : i32, i32
  }
  func.func @transform_8(%arg0: i32) -> (i32, i32) {
    %c0_i32 = arith.constant 0 : i32
    %c0_i32_0 = arith.constant 0 : i32
    %c0_i32_1 = arith.constant 0 : i32
    return %c0_i32, %c0_i32_0 : i32, i32
  }
  func.func @transform_9(%arg0: i32) -> i32 {
    %c0_i32 = arith.constant 0 : i32
    return %arg0 : i32
  }
}

</mosaic_0001>

<sc_bundles>
// kernel: kernel.4.cloned.1.call-start
scs
__scs_entry_jumppad:
0x0: {  	(pc) =	sbr.rel $0x88, $3  }
0x1: {  	(tag) =	ssettag $0x0;
	lr =	simm.s32 $0x1  }
0x2: {  	[smem:$0x3F98] =	sst lr;
	_ =	strace $0xD0000000  }
0x3: {  	_ = 	snop  }
0x4: {  	_ = 	snop  }
0x5: {  	_ = 	snop  }
0x6: {  	_ = 	snop  }
0x7: {  	_ = 	snop  }
__scs_overlays_trampoline_lowered:
0x8: {  	[smem:$0x3FA7] =	sst s0  }
0x9: {  	[smem:$0x3FA8] =	sst s1  }
0xa: {  	[smem:$0x3FA9] =	sst s2  }
0xb: {  	[smem:$0x3FAA] =	sst s3  }
0xc: {  	[smem:$0x3FAB] =	sst s4  }
0xd: {  	[smem:$0x3FAC] =	sst s5  }
0xe: {  	[smem:$0x3FAD] =	sst s6  }
0xf: {  	[smem:$0x3FAE] =	sst s7  }
0x10: {  	[smem:$0x3FAF] =	sst s8  }
0x11: {  	[smem:$0x3FB0] =	sst s9;
	s0 =	simm.s32 @!p0 $0x0  }
0x12: {  	s1 =	sld [smem:$0x3F96];
	s0 =	simm.s32 @p0 $0x1  }
0x13: {  	[smem:$0x3FB1] =	sst s0;
	s0 =	simm.s32 @!p1 $0x0  }
0x14: {  	s2 =	sld [smem:$0x3F95];
	s0 =	simm.s32 @p1 $0x1  }
0x15: {  	[smem:$0x3FB2] =	sst s0;
	s0 =	simm.s32 @!p2 $0x0  }
0x16: {  	s3 =	sld [smem:$0x3FDB];
	s0 =	simm.s32 @p2 $0x1  }
0x17: {  	s4 =	simm.s32 $0x1BF5;
	[smem:$0x3FB4] =	sst s0  }
0x18: {  	s0 =	sld [smem:$0x3F97];
	_ =	swait.ge [sflag:s4], $0x0  }
0x19: {  	s7 =	sld [smem:$0x3F98]  }
0x1a: {  	s8 =	sadd.s32 $0xFFFFE003, lr  }
0x1b: {  	s9 =	sadd.s32 $0xFFFFFEF7, lr;
	s5 =	simm.s32 $0xFFFFFFFF;
	p2 =	slt.u32 s8, $0xFFFFF086  }
0x1c: {  	p1 =	slt.u32 s9, $0xF7A;
	s5 =	simm.s32 @!p2 $0x0  }
0x1d: {  	s5 =	simm.s32 @p1 $0x1;
	p0 =	seq.s32 s7, s2  }
0x1e: {  	s7 =	smul.u32 @!p0 $0xF7A, s2;
	p2 =	seq.s32 @!p0 s5, $0x0  }
0x1f: {  	s9 =	smul.u32 $0xF7A, s1;
	s8 =	simm.s32 @!p0 $0x1BF5;
	p2 =	por !p2, p0  }
0x20: {  	[sflag:s8] =	ssyncset.s32 @!p0 $0xFFFFF086;
	s6 =	sadd.s32 @!p0 s3, s7;
	s7 =	simm.s32 @!p0 $0x108  }
0x21: {  	s3 =	sadd.s32 s3, s9;
	s6 =	sadd.s32 @!p0 $0x88, s6;
	s7 =	simm.s32 @p2 $0x1082  }
0x22: {  	[simem:s7], [sflag:s8] =	dma.local @!p0 [hbm:s6], $0xF7A  }
0x23: {  	s9 =	sor.u32 $0xD0000000, s2;
	s6 =	simm.s32 $0x108;
	_ =	swait.ge @!p0 [sflag:s8], $0x0  }
0x24: {  	s3 =	sadd.s32 $0x88, s3;
	s6 =	simm.s32 @!p1 $0x1082;
	[sflag:s4] =	ssyncset.s32 $0xFFFFF086  }
0x25: {  	[simem:s6], [sflag:s4] =	dma.local [hbm:s3], $0xF7A  }
0x26: {  	[smem:$0x3F98] =	sst s1;
	(tag) =	ssettag s2;
	_ =	strace s9  }
0x27: {  	s1 =	sld [smem:$0x3FA8]  }
0x28: {  	s2 =	sld [smem:$0x3FA9]  }
0x29: {  	s4 =	sld [smem:$0x3FAB]  }
0x2a: {  	p0 =	seq.s32 s5, $0x0;
	s5 =	sld [smem:$0x3FAC]  }
0x2b: {  	s6 =	sld [smem:$0x3FAD]  }
0x2c: {  	s7 =	sld [smem:$0x3FAE]  }
0x2d: {  	s3 =	simm.s32 $0x108;
	s8 =	sld [smem:$0x3FAF]  }
0x2e: {  	s3 =	simm.s32 @!p0 $0x1082;
	s9 =	sld [smem:$0x3FB0]  }
0x2f: {  	lr =	sadd.s32 s0, s3;
	s0 =	sld [smem:$0x3FA7]  }
0x30: {  	s3 =	sld [smem:$0x3FAA]  }
0x31: {  	[smem:$0x3FB3] =	sst s10  }
0x32: {  	s10 =	sld [smem:$0x3FB1];
	_ =	sdelay $0x3  }
0x33: {  	p0 =	seq.s32 s10, $0x1;
	s10 =	sld [smem:$0x3FB3];
	_ =	sdelay $0x3  }
0x34: {  	[smem:$0x3FB3] =	sst s10  }
0x35: {  	s10 =	sld [smem:$0x3FB2];
	_ =	sdelay $0x3  }
0x36: {  	p1 =	seq.s32 s10, $0x1;
	s10 =	sld [smem:$0x3FB3];
	_ =	sdelay $0x3  }
0x37: {  	[smem:$0x3FB3] =	sst s10  }
0x38: {  	s10 =	sld [smem:$0x3FB4]  }
0x39: {  	_ = 	snop;
	(pc) =	sbr.ind lr, $3  }
0x3a: {  	_ = 	snop  }
0x3b: {  	_ = 	snop  }
0x3c: {  	p2 =	seq.s32 s10, $0x1;
	s10 =	sld [smem:$0x3FB3]  }
0x3d: {  	_ =	shalt  }
0x3e: {  	_ =	shalt  }
0x3f: {  	_ =	shalt  }
0x40: {  	_ =	shalt  }
0x41: {  	_ =	shalt  }
0x42: {  	_ =	shalt  }
0x43: {  	_ =	shalt  }
0x44: {  	_ =	shalt  }
0x45: {  	_ =	shalt  }
0x46: {  	_ =	shalt  }
0x47: {  	_ =	shalt  }
0x48: {  	_ =	shalt  }
0x49: {  	_ =	shalt  }
0x4a: {  	_ =	shalt  }
0x4b: {  	_ =	shalt  }
0x4c: {  	_ =	shalt  }
0x4d: {  	_ =	shalt  }
0x4e: {  	_ =	shalt  }
0x4f: {  	_ =	shalt  }
0x50: {  	_ =	shalt  }
0x51: {  	_ =	shalt  }
0x52: {  	_ =	shalt  }
0x53: {  	_ =	shalt  }
0x54: {  	_ =	shalt  }
0x55: {  	_ =	shalt  }
0x56: {  	_ =	shalt  }
0x57: {  	_ =	shalt  }
0x58: {  	_ =	shalt  }
0x59: {  	_ =	shalt  }
0x5a: {  	_ =	shalt  }
0x5b: {  	_ =	shalt  }
0x5c: {  	_ =	shalt  }
0x5d: {  	_ =	shalt  }
0x5e: {  	_ =	shalt  }
0x5f: {  	_ =	shalt  }
0x60: {  	_ =	shalt  }
0x61: {  	_ =	shalt  }
0x62: {  	_ =	shalt  }
0x63: {  	_ =	shalt  }
0x64: {  	_ =	shalt  }
0x65: {  	_ =	shalt  }
0x66: {  	_ =	shalt  }
0x67: {  	_ =	shalt  }
0x68: {  	_ =	shalt  }
0x69: {  	_ =	shalt  }
0x6a: {  	_ =	shalt  }
0x6b: {  	_ =	shalt  }
0x6c: {  	_ =	shalt  }
0x6d: {  	_ =	shalt  }
0x6e: {  	_ =	shalt  }
0x6f: {  	_ =	shalt  }
0x70: {  	_ =	shalt  }
0x71: {  	_ =	shalt  }
0x72: {  	_ =	shalt  }
0x73: {  	_ =	shalt  }
0x74: {  	_ =	shalt  }
0x75: {  	_ =	shalt  }
0x76: {  	_ =	shalt  }
0x77: {  	_ =	shalt  }
0x78: {  	_ =	shalt  }
0x79: {  	_ =	shalt  }
0x7a: {  	_ =	shalt  }
0x7b: {  	_ =	shalt  }
0x7c: {  	_ =	shalt  }
0x7d: {  	_ =	shalt  }
0x7e: {  	_ =	shalt  }
0x7f: {  	_ =	shalt  }
0x80: {  	_ =	shalt  }
0x81: {  	_ =	shalt  }
0x82: {  	_ =	shalt  }
0x83: {  	_ =	shalt  }
0x84: {  	_ =	shalt  }
0x85: {  	_ =	shalt  }
0x86: {  	_ =	shalt  }
0x87: {  	_ =	shalt  }
.Lfunc_end0:
.L_simem_size_0:
called_computation_lowered:
.L_overlay_start_0:
0x88: {  	s2 =	sld [smem:$0x3FD9]  }
0x89: {  	s3 =	sld [smem:$0x3FFE];
	_ =	sdelay $0x1  }
0x8a: {  	s1 =	srdreg.scid  }
0x8b: {  	s0 =	sand.u32 $0x1, s1  }
0x8c: {  	s17 =	sshll.u32 s0, $0xA;
	s2 =	sadd.s32 s3, s2  }
0x8d: {  	s2 =	sadd.s32 s2, s17  }
0x8e: {  	[smem:$0x3FBF] =	sst s2  }
0x8f: {  	_ = 	snop  }
0x90: {  	s2 =	sld [smem:$0x3FD0];
	(tm) =	ssettm $0x1  }
0x91: {  	s18 =	sld [smem:$0x3FFB];
	_ =	sdelay $0x3  }
0x92: {  	_ =	strace s18  }
0x93: {  	s3 =	sld [smem:$0x3FFC];
	_ =	sdelay $0x3  }
0x94: {  	_ =	strace s3  }
0x95: {  	s3 =	sld [smem:$0x3FFD];
	_ =	sdelay $0x3  }
0x96: {  	_ =	strace s3  }
0x97: {  	_ =	strace $0x8FFFFFFF  }
0x98: {  	s19 =	sld [smem:$0x3FDB];
	_ =	sdelay $0x1  }
0x99: {  	s4 =	simm.s32 $_scs_section_size  }
0x9a: {  	s5 =	simm.s32 $_size__tile_overlayer_lowered;
	s6 =	simm.s32 $_tile_overlayer_lowered  }
0x9b: {  	s22 =	simm.s32 $0x1BFF;
	s21 =	sshll.u32 s6, $0x1;
	s3 =	sadd.s32 s4, s19  }
0x9c: {  	s7 =	simm.s32 $0x0;
	s20 =	sshll.u32 s5, $0x1;
	s5 =	sadd.s32 s21, s3  }
0x9d: {  	[timem:s7], [sflag:s22] =	dma.local [hbm:s5], s20  }
0x9e: {  	_ =	swait.ge [sflag:s22], s20  }
0x9f: {  	s4 =	ssub.s32 $0x0, s20;
	[sflag:s22] =	ssyncset.done $0x0  }
0xa0: {  	[sflag:s22] =	ssyncadd.s32 s4;
	_ =	sdelay $0x1  }
0xa1: {  	s23 =	simm.s32 $0x1B8B  }
0xa2: {  	_ =	swait.ge [sflag:s23], $0x1  }
0xa3: {  	[sflag:s23] =	ssyncset.done $0x0  }
0xa4: {  	s25 =	simm.s32 $0x1B8E;
	s24 =	sld [smem:$0x3FFE];
	[sflag:s23] =	ssyncadd.s32 $0xFFFFFFFF  }
0xa5: {  	s26 =	simm.s32 $execute0_lowered;
	[smem:$0x3FD2] =	sst s25  }
0xa6: {  	s5 =	sshll.u32 s26, $0x1;
	_ =	strace $0x80000046;
	[dreg:$0x1] =	wrdreg $0xFFFFFFFF  }
0xa7: {  	s28 =	simm.s32 $_size_execute0_lowered;
	s3 =	sadd.s32 s3, s5;
	[dreg:$0x0] =	wrdreg $0x0  }
0xa8: {  	s5 =	sshll.u32 s28, $0x1;
	[dreg:$0x2] =	wrdreg s3  }
0xa9: {  	[dreg:$0x3] =	wrdreg s5  }
0xaa: {  	[dreg:$0x4] =	wrdreg $0xC0  }
0xab: {  	_ =	task [dreg:s7], $0x5FFFF  }
0xac: {  	[dreg:$0x1] =	wrdreg $0xFFFFFFFF  }
0xad: {  	[dreg:$0x0] =	wrdreg $0x60  }
0xae: {  	[dreg:$0x2] =	wrdreg s24  }
0xaf: {  	[dreg:$0x3] =	wrdreg s2  }
0xb0: {  	[dreg:$0x4] =	wrdreg $0x9  }
0xb1: {  	_ =	task.clear_ibuf [dreg:s7], $0x5FFFF;
	_ =	strace $0x90000046  }
0xb2: {  	s29 =	simm.s32 $0x9;
	_ =	strace $0x80000048  }
0xb3: {  	_ =	swait.ge [sflag:s29], $0x1  }
0xb4: {  	[sflag:s29] =	ssyncadd.s32 $0xFFFFFFFF  }
0xb5: {  	_ =	strace $0x90000048  }
0xb6: {  	_ =	sfence  }
0xb7: {  	s30 =	sld [smem:$0x0];
	_ =	sdelay $0x2  }
0xb8: {  	s31 =	sshll.u32 s1, $0xD;
	s1 =	sshrl.u32 s1, $0x2  }
0xb9: {  	s3 =	sand.u32 $0x4000, s31;
	s1 =	sadd.s32 s1, s30  }
0xba: {  	s0 =	sor.u32 s3, s0;
	s1 =	sshll.u32 s1, $0x11  }
0xbb: {  	s0 =	sor.u32 s1, s0  }
0xbc: {  	s0 =	sadd.s32 $0x8F2B, s0  }
0xbd: {  	[sflag:s0] =	ssyncadd.remote.s32 $0x1  }
0xbe: {  	_ =	sfence.sel $0xFFFF  }
0xbf: {  	[dreg:$0x0] =	wrdreg $0xFFFFFFFF;
	(pc) =	sbr.abs _section_cstart, $3  }
0xc0: {  	[dreg:$0x1] =	wrdreg $0xFFFFFFFF  }
0xc1: {  	_ =	task.clear_ibuf [dreg:s7], $0x2FFFF;
	_ =	strace $0x9FFFFFFF  }
0xc2: {  	(tm) =	ssettm $0x7FFFFFFF  }
0xc3: {  	_ =	shalt  }
tec
execute0_lowered:
.L_overlay_start_1:
0x0: {  	(tag) =	ssettag $0x1  }
0x1: {  	s1 =	srdreg.scid  }
0x2: {  	s0 =	stileid.u32;
	s13 =	sand.u32 $0x1, s1  }
0x3: {  	s12 =	rddreg [dreg:$0x0];
	s31 =	sshll.u32 s0, $0xA;
	s2 =	sshll.u32 s13, $0x9  }
0x4: {  	s5 =	rddreg [dreg:$0x1];
	s14 =	sor.u32 s2, s31  }
0x5: {  	s1 =	rddreg [dreg:$0x2];
	s2 =	simm.s32 $0x0;
	s6 =	sshrl.u32 s14, $0x3  }
0x6: {  	[smem:$0x7FF] =	sst s2;
	s3 =	sadd.s32 s6, s12  }
0x7: {  	_ =	strace $0x80000047;
	s4 =	sadd.s32 $0x3200, s3;
	s3 =	simm.s32 $0x3  }
0x8: {  	[tilespmem:s2], [sflag:$0x3] =	stream.linear.gather [hbm4b:s4+s2], $0x200, $0x38;
	[tilespmem:$0x10400] =	vst v63  }
0x9: {  	_ =	swait.ge [sflag:s3], $0x200  }
0xa: {  	[sflag:s3] =	ssyncset.done $0x0  }
0xb: {  	s5 =	sadd.s32 s5, s6;
	s6 =	simm.s32 $0x200;
	[sflag:s3] =	ssyncadd.s32 $0xFFFFFE00  }
0xc: {  	[tilespmem:s6], [sflag:$0x3] =	stream.linear.gather [hbm4b:s5+s2], $0x200, $0x38;
	[tilespmem:$0x10400] =	vst v63  }
0xd: {  	_ =	swait.ge [sflag:s3], $0x200  }
0xe: {  	[sflag:s3] =	ssyncset.done $0x0  }
0xf: {  	s8 =	simm.s32 $0x400;
	s7 =	sadd.s32 $0x24DA00, s12;
	[sflag:s3] =	ssyncadd.s32 $0xFFFFFE00  }
0x10: {  	[tilespmem:s8], [sflag:$0x1] =	stream.indirect.gather [hbm4b:s7+s6], $0x40, s2, s6, $0xb8;
	[tilespmem:$0x10400] =	vst v63  }
0x11: {  	s10 =	simm.s32 $0x8400;
	s11 =	simm.s32 $0x1;
	s9 =	sadd.s32 $0x18A400, s12  }
0x12: {  	[tilespmem:s10], [sflag:$0x2] =	stream.indirect.gather [hbm4b:s9+s6], $0x40, s6, s6, $0xb8;
	[tilespmem:$0x10400] =	vst v63  }
0x13: {  	s14 =	sshll.u32 s14, $0x3;
	_ =	swait.ge [sflag:s11], $0x8000  }
0x14: {  	s14 =	sadd.s32 s14, s12;
	[sflag:s11] =	ssyncset.done $0x0  }
0x15: {  	s15 =	ssub.s32 $0x2, s13;
	s12 =	sadd.s32 $0x23A00, s14;
	[sflag:s11] =	ssyncadd.s32 $0xFFFF8000  }
0x16: {  	[hbm4b:s12+s2] =	stream.linear.scatter [tilespmem:s8], [sflag:$0x3], $0x8000, $0x38;
	[tilespmem:$0x10400] =	vst v63  }
0x17: {  	s16 =	sshrl.u32 s15, $0x1;
	_ =	swait.ge [sflag:s3], $0x8000  }
0x18: {  	s15 =	ssub.s32 s15, s16;
	[sflag:s3] =	ssyncset.done $0x0  }
0x19: {  	s13 =	simm.s32 $0x2;
	s15 =	smax.u32 s15, $0x1;
	[sflag:s3] =	ssyncadd.s32 $0xFFFF8000  }
0x1a: {  	p0 =	sne.s32 s15, $0x1;
	_ =	swait.ge [sflag:s13], $0x8000  }
.Ltmp0:
0x1b: {  	[sflag:s13] =	ssyncset.done $0x0;
	(pc) =	sbr.rel @!p0 .LBB2_2-.Ltmp0, $4  }
0x1c: {  	s14 =	sadd.s32 $0x3A00, s14;
	[sflag:s13] =	ssyncadd.s32 $0xFFFF8000  }
0x1d: {  	[hbm4b:s14+s2] =	stream.linear.scatter [tilespmem:s10], [sflag:$0x3], $0x8000, $0x38;
	[tilespmem:$0x10400] =	vst v63  }
0x1e: {  	_ =	swait.ge [sflag:s3], $0x8000  }
0x1f: {  	s15 =	sadd.s32 $0xFFFFFFFF, s15;
	[sflag:s3] =	ssyncset.done $0x0  }
.LBB2_1:
0x20: {  	p0 =	sne.s32 s15, $0x1;
	s15 =	sadd.s32 $0xFFFFFFFF, s15;
	[sflag:s3] =	ssyncadd.s32 $0xFFFF8000  }
0x21: {  	[tilespmem:s2], [sflag:$0x3] =	stream.linear.gather [hbm4b:s4+s2], $0x200, $0x38;
	[tilespmem:$0x10400] =	vst v63  }
0x22: {  	_ =	swait.ge [sflag:s3], $0x200  }
0x23: {  	[sflag:s3] =	ssyncset.done $0x0  }
0x24: {  	[sflag:s3] =	ssyncadd.s32 $0xFFFFFE00  }
0x25: {  	[tilespmem:s6], [sflag:$0x3] =	stream.linear.gather [hbm4b:s5+s2], $0x200, $0x38;
	[tilespmem:$0x10400] =	vst v63  }
0x26: {  	_ =	swait.ge [sflag:s3], $0x200  }
0x27: {  	[sflag:s3] =	ssyncset.done $0x0  }
0x28: {  	[sflag:s3] =	ssyncadd.s32 $0xFFFFFE00  }
0x29: {  	[tilespmem:s8], [sflag:$0x1] =	stream.indirect.gather [hbm4b:s7+s6], $0x40, s2, s6, $0xb8;
	[tilespmem:$0x10400] =	vst v63  }
0x2a: {  	_ = 	snop  }
0x2b: {  	[tilespmem:s10], [sflag:$0x2] =	stream.indirect.gather [hbm4b:s9+s6], $0x40, s6, s6, $0xb8;
	[tilespmem:$0x10400] =	vst v63  }
0x2c: {  	_ =	swait.ge [sflag:s11], $0x8000  }
0x2d: {  	[sflag:s11] =	ssyncset.done $0x0  }
0x2e: {  	[sflag:s11] =	ssyncadd.s32 $0xFFFF8000  }
0x2f: {  	[hbm4b:s12+s2] =	stream.linear.scatter [tilespmem:s8], [sflag:$0x3], $0x8000, $0x38;
	[tilespmem:$0x10400] =	vst v63  }
0x30: {  	_ =	swait.ge [sflag:s3], $0x8000  }
0x31: {  	[sflag:s3] =	ssyncset.done $0x0  }
0x32: {  	[sflag:s3] =	ssyncadd.s32 $0xFFFF8000  }
0x33: {  	_ =	swait.ge [sflag:s13], $0x8000  }
.Ltmp1:
0x34: {  	[sflag:s13] =	ssyncset.done $0x0;
	(pc) =	sbr.rel @p0 .LBB2_1-.Ltmp1, $4  }
0x35: {  	[sflag:s13] =	ssyncadd.s32 $0xFFFF8000  }
0x36: {  	[hbm4b:s14+s2] =	stream.linear.scatter [tilespmem:s10], [sflag:$0x3], $0x8000, $0x38;
	[tilespmem:$0x10400] =	vst v63  }
0x37: {  	_ =	swait.ge [sflag:s3], $0x8000  }
0x38: {  	[sflag:s3] =	ssyncset.done $0x0  }
.LBB2_2:
0x39: {  	[sflag:s3] =	ssyncadd.s32 $0xFFFF8000  }
0x3a: {  	_ =	sfence.sel $0x180000  }
0x3b: {  	[bflag:$0x0] =	sbarrier.arrive $0xFFFF  }
0x3c: {  	p0 =	sne.s32 s0, $0x0;
	_ =	strace $0x90000047  }
0x3d: {  	s0 =	sadd.s32 @!p0 $0x100000, s1;
	[bflag:$0x2] =	sbarrier.arrive $0xFFFF  }
0x3e: {  	[sflag:s0] =	ssyncadd.tile.s32 @!p0 $0x1;
	_ =	shalt  }
.Lfunc_end2:
_tile_overlayer_lowered:
.L_overlay_start_2:
0x3f: {  	(tag) =	ssettag $0x2  }
0x40: {  	s0 =	rddreg [dreg:$0x0];
	s2 =	stileid.u32  }
0x41: {  	s1 =	rddreg [dreg:$0x1];
	p0 =	sne.s32 s2, $0x0  }
0x42: {  	s3 =	rddreg [dreg:$0x2];
	[bflag:$0x3] =	sbarrier.arrive $0xFFFF;
	s2 =	simm.s32 @!p0 $0x1C03  }
0x43: {  	[timem:s3], [sflag:s2] =	dma.local @!p0 [hbm:s0], s1  }
0x44: {  	s0 =	simm.s32 @!p0 $0x3  }
0x45: {  	_ =	swait.ge @!p0 [sflag:s0], s1  }
0x46: {  	s1 =	ssub.s32 @!p0 $0x0, s1;
	[sflag:s0] =	ssyncset.done @!p0 $0x0  }
0x47: {  	[sflag:s0] =	ssyncadd.s32 @!p0 s1  }
0x48: {  	[bflag:$0x3] =	sbarrier.arrive $0xFFFF  }
0x49: {  	_ =	shalt  }

</sc_bundles>
